<compile_context>
chip_gen: v7x
topology: tpu7x:2x2x1
jax: 0.10.2.dev20260603
libtpu: 0.0.44.dev20260713+nightly
codegen_flags: <defaults>
</compile_context>

<pallas_src>
import functools

import jax
import jax.numpy as jnp
import numpy as np
from jax import lax
from jax.experimental import pallas as pl
from jax.experimental.pallas import tpu as pltpu
from jax.experimental.pallas import tpu_sc as plsc

B, T, N = 8, 12, 10000
NBT = B * T
NC, NS = 2, 16
NW = NC * NS
NJ = N // 16


def _threefry2x32(k0, k1, x0, x1):
    rotations = ((13, 15, 26, 6), (17, 29, 16, 24))
    k0 = np.uint32(k0)
    k1 = np.uint32(k1)
    ks = (k0, k1, np.uint32(k0 ^ k1 ^ np.uint32(0x1BD11BDA)))
    x0 = (x0 + k0).astype(np.uint32)
    x1 = (x1 + k1).astype(np.uint32)

    def rot(x, d):
        return ((x << np.uint32(d)) | (x >> np.uint32(32 - d))).astype(np.uint32)

    for i in range(5):
        for r in rotations[i % 2]:
            x0 = (x0 + x1).astype(np.uint32)
            x1 = rot(x1, r) ^ x0
        x0 = (x0 + ks[(i + 1) % 3]).astype(np.uint32)
        x1 = (x1 + ks[(i + 2) % 3] + np.uint32(i + 1)).astype(np.uint32)
    return x0, x1


@functools.lru_cache(maxsize=None)
def _mask_consts():
    def bits32(kk, n):
        o0, o1 = _threefry2x32(
            kk[0], kk[1], np.zeros(n, np.uint32), np.arange(n, dtype=np.uint32))
        return o0 ^ o1

    def mask_from(kk, shape):
        bits = bits32(kk, int(np.prod(shape)))
        f = ((bits >> np.uint32(9)) | np.uint32(0x3F800000)).view(np.float32)
        u = np.maximum(np.float32(0.0), f - np.float32(1.0))
        return (u < np.float32(0.15)).reshape(shape)

    o0, o1 = _threefry2x32(0, 42, np.zeros(2, np.uint32), np.arange(2, dtype=np.uint32))
    ka, kb = (o0[0], o1[0]), (o0[1], o1[1])
    return mask_from(ka, (B, T, N)), mask_from(kb, (B, T, N))


def _make_sc_select(D: int):
    ngrp = D // 8
    nslab = NBT * ngrp
    spw = nslab // NW
    nbt_pw = spw // ngrp
    mesh = plsc.VectorSubcoreMesh(core_axis_name="c", subcore_axis_name="s")

    @functools.partial(
        pl.kernel,
        out_type=jax.ShapeDtypeStruct((nslab, 8, N), jnp.float32),
        mesh=mesh,
        compiler_params=pltpu.CompilerParams(
            needs_layout_passes=False, use_tc_tiling_on_sc=True),
        scratch_types=[
            pltpu.VMEM((8, N), jnp.float32),
            pltpu.VMEM((N,), jnp.int32),
            pltpu.VMEM((16 * D,), jnp.float32),
        ],
    )
    def kern(x_hbm, mask_hbm, tok_hbm, out_hbm, buf, mask_v, tok_v):
        wid = lax.axis_index("s") * NC + lax.axis_index("c")
        pltpu.sync_copy(tok_hbm, tok_v)

        def bt_body(i, carry):
            bt = wid * nbt_pw + i
            pltpu.sync_copy(mask_hbm.at[bt], mask_v)

            def g_body(g, carry2):
                s = bt * ngrp + g
                pltpu.sync_copy(x_hbm.at[s], buf)
                toks = [tok_v[pl.ds((g * 8 + r) * 16, 16)] for r in range(8)]

                def j_body(j, carry3):
                    sl = pl.ds(j * 16, 16)
                    mb = mask_v[sl] != 0
                    for r in range(8):
                        buf[r, sl] = jnp.where(mb, toks[r], buf[r, sl])
                    return carry3

                lax.fori_loop(0, NJ, j_body, 0)
                pltpu.sync_copy(buf, out_hbm.at[s])
                return carry2

            lax.fori_loop(0, ngrp, g_body, 0)
            return carry

        lax.fori_loop(0, nbt_pw, bt_body, 0)

    return kern


def _make_tc_select(D: int):
    ngrp = D // 8

    def body(x_ref, m_ref, tok_ref, o_ref):
        m = m_ref[...] != 0
        o_ref[...] = jnp.where(m, tok_ref[...], x_ref[...])

    return pl.pallas_call(
        body,
        grid=(NBT,),
        in_specs=[
            pl.BlockSpec((1, ngrp, 8, N), lambda i: (i, 0, 0, 0)),
            pl.BlockSpec((1, 1, 1, N), lambda i: (i, 0, 0, 0)),
            pl.BlockSpec((1, ngrp, 8, 1), lambda i: (0, 0, 0, 0)),
        ],
        out_specs=pl.BlockSpec((1, ngrp, 8, N), lambda i: (i, 0, 0, 0)),
        out_shape=jax.ShapeDtypeStruct((NBT, ngrp, 8, N), jnp.float32),
    )


def kernel(feat0, feat1, mask_token0, mask_token1):
    m0, m1 = _mask_consts()

    xt0 = feat0.transpose(0, 1, 3, 2).reshape(NBT * 8, 8, N)
    xt1 = feat1.transpose(0, 1, 3, 2).reshape(NBT * 4, 8, N)

    m0_i = jnp.asarray(m0.reshape(NBT, N).astype(np.int8))
    m1_i = jnp.asarray(m1.reshape(NBT, N).astype(np.int32))

    t0 = mask_token0.reshape(-1)
    t1 = mask_token1.reshape(-1)
    tok0_tc = t0.reshape(1, 8, 8, 1)
    tok1_sc = jnp.broadcast_to(t1.reshape(32, 1), (32, 16)).reshape(512)

    yt0 = _make_tc_select(64)(
        xt0.reshape(NBT, 8, 8, N), m0_i.reshape(NBT, 1, 1, N), tok0_tc)
    yt1 = _make_sc_select(32)(xt1, m1_i, tok1_sc)

    out0 = yt0.reshape(B, T, 64, N).transpose(0, 1, 3, 2)
    out1 = yt1.reshape(B, T, 32, N).transpose(0, 1, 3, 2)
    return (out0, out1, jnp.asarray(m0), jnp.asarray(m1))

# --- scband reference (transcript-rebuilt; emitter-appended) ---
"""Pipeline reference for scband-feature-mask-4870492914013 (READ-ONLY COPY).

The authoritative reference and input builder live on the scoring server;
editing this copy changes nothing except your own understanding.
"""

import jax, jax.numpy as jnp
import numpy as np


def setup_inputs(seed: int = 0) -> dict:
    key = jax.random.key(seed)
    k0, k1, k2, k3 = jax.random.split(key, 4)
    feat0 = jax.random.normal(k0, (8, 12, 10000, 64), dtype=jnp.float32)
    feat1 = jax.random.normal(k1, (8, 12, 10000, 32), dtype=jnp.float32)
    # xavier_uniform for shape (1, dim): bound = sqrt(6 / (fan_in + fan_out)) = sqrt(6 / (1 + dim))
    b0 = float(np.sqrt(6.0 / (1 + 64)))
    b1 = float(np.sqrt(6.0 / (1 + 32)))
    mask_token0 = jax.random.uniform(k2, (1, 64), minval=-b0, maxval=b0, dtype=jnp.float32)
    mask_token1 = jax.random.uniform(k3, (1, 32), minval=-b1, maxval=b1, dtype=jnp.float32)
    return {"feat0": feat0, "feat1": feat1, "mask_token0": mask_token0, "mask_token1": mask_token1}


def _mask_nodes(x, mask_token, key, mask_ratio=0.15):
    b, t, n, d = x.shape
    mask = jax.random.uniform(key, (b, t, n)) < mask_ratio
    # x_masked[mask] = mask_token  (mask_token shape (1, d) broadcasts over masked rows)
    x_masked = jnp.where(mask[..., None], mask_token[0], x)
    return x_masked, mask


def reference(feat0, feat1, mask_token0, mask_token1):
    key = jax.random.key(42)
    ka, kb = jax.random.split(key, 2)
    m0, i0 = _mask_nodes(feat0, mask_token0, ka, mask_ratio=0.15)
    m1, i1 = _mask_nodes(feat1, mask_token1, kb, mask_ratio=0.15)
    return (m0, m1, i0, i1)

if __name__ == "__main__":
    import jax
    _d = setup_inputs()
    print(jax.jit(kernel)(*tuple(_d.values())))

</pallas_src>

<mosaic_0001>
#map = affine_map<(d0, d1) -> (0, 0, 0)>
#map1 = affine_map<(d0, d1) -> (0, 0)>
#map2 = affine_map<(d0, d1) -> (0)>
module attributes {stable_mosaic.version = 14 : i64} {
  func.func @kern(%arg0: i32, %arg1: i32, %arg2: memref<384x8x10000xf32, #tpu.memory_space<hbm>>, %arg3: memref<96x10000xi32, #tpu.memory_space<hbm>>, %arg4: memref<512xf32, #tpu.memory_space<hbm>>, %arg5: memref<384x8x10000xf32, #tpu.memory_space<hbm>>, %arg6: memref<8x10000xf32, #tpu.memory_space<vmem>>, %arg7: memref<10000xi32, #tpu.memory_space<vmem>>, %arg8: memref<512xf32, #tpu.memory_space<vmem>>) attributes {dimension_semantics = [#tpu.dimension_semantics<core_parallel>, #tpu.dimension_semantics<subcore_parallel>], iteration_bounds = array<i64: 2, 16>, scalar_prefetch = 0 : i64, scratch_operands = 3 : i64, tpu.core_type = #tpu.core_type<sc_vector_subcore>, window_params = [{transform_indices = #map}, {transform_indices = #map1}, {transform_indices = #map2}, {transform_indices = #map}]} {
    %mul3A = arith.constant 2 : i32
    %mul3A_0 = arith.muli %arg1, %mul3A : i32
    %add3A = arith.addi %mul3A_0, %arg0 : i32
    "tpu.region"() ({
      %run_scoped3A = tpu.sem_alloc : memref<!tpu.dma_semaphore, #tpu.memory_space<semaphore_mem>>
      tpu.enqueue_dma source(%arg4 : memref<512xf32, #tpu.memory_space<hbm>>) target(%arg8 : memref<512xf32, #tpu.memory_space<vmem>>) target_semaphore(%run_scoped3A : memref<!tpu.dma_semaphore, #tpu.memory_space<semaphore_mem>>)
      tpu.wait_dma2 semaphore(%run_scoped3A : memref<!tpu.dma_semaphore, #tpu.memory_space<semaphore_mem>>) src(%arg4 : memref<512xf32, #tpu.memory_space<hbm>>) dst(%arg8 : memref<512xf32, #tpu.memory_space<vmem>>)
      tpu.yield
    }) : () -> ()
    %scan3A = arith.constant 0 : i32
    %scan3A_1 = arith.constant 0 : i32
    %scan3A_2 = arith.constant 3 : i32
    %scan3A_3 = arith.addi %scan3A_1, %scan3A_2 : i32
    %scan3A_4 = arith.constant 1 : i32
    scf.for %scan3A_6 = %scan3A_1 to %scan3A_3 step %scan3A_4  : i32 {
      %mul3A_7 = arith.constant 3 : i32
      %mul3A_8 = arith.muli %add3A, %mul3A_7 : i32
      %add3A_9 = arith.addi %mul3A_8, %scan3A_6 : i32
      "tpu.region"() ({
        %run_scoped3A = tpu.sem_alloc : memref<!tpu.dma_semaphore, #tpu.memory_space<semaphore_mem>>
        %dma_start3A = arith.constant 0 : i32
        %dma_start3A_16 = tpu.memref_slice %arg3[%add3A_9, %dma_start3A] : memref<96x10000xi32, #tpu.memory_space<hbm>> -> memref<1x10000xi32, #tpu.memory_space<hbm>>
        %dma_start3A_17 = tpu.memref_squeeze %dma_start3A_16 : memref<1x10000xi32, #tpu.memory_space<hbm>> -> memref<10000xi32, #tpu.memory_space<hbm>>
        %dma_start3A_18 = arith.constant 0 : i32
        %dma_start3A_19 = tpu.memref_slice %arg3[%add3A_9, %dma_start3A_18] : memref<96x10000xi32, #tpu.memory_space<hbm>> -> memref<1x10000xi32, #tpu.memory_space<hbm>>
        %dma_start3A_20 = tpu.memref_squeeze %dma_start3A_19 : memref<1x10000xi32, #tpu.memory_space<hbm>> -> memref<10000xi32, #tpu.memory_space<hbm>>
        tpu.enqueue_dma source(%dma_start3A_20 : memref<10000xi32, #tpu.memory_space<hbm>>) target(%arg7 : memref<10000xi32, #tpu.memory_space<vmem>>) target_semaphore(%run_scoped3A : memref<!tpu.dma_semaphore, #tpu.memory_space<semaphore_mem>>)
        %dma_wait3A = arith.constant 0 : i32
        %dma_wait3A_21 = tpu.memref_slice %arg3[%add3A_9, %dma_wait3A] : memref<96x10000xi32, #tpu.memory_space<hbm>> -> memref<1x10000xi32, #tpu.memory_space<hbm>>
        %dma_wait3A_22 = tpu.memref_squeeze %dma_wait3A_21 : memref<1x10000xi32, #tpu.memory_space<hbm>> -> memref<10000xi32, #tpu.memory_space<hbm>>
        %dma_wait3A_23 = arith.constant 0 : i32
        %dma_wait3A_24 = tpu.memref_slice %arg3[%add3A_9, %dma_wait3A_23] : memref<96x10000xi32, #tpu.memory_space<hbm>> -> memref<1x10000xi32, #tpu.memory_space<hbm>>
        %dma_wait3A_25 = tpu.memref_squeeze %dma_wait3A_24 : memref<1x10000xi32, #tpu.memory_space<hbm>> -> memref<10000xi32, #tpu.memory_space<hbm>>
        tpu.wait_dma2 semaphore(%run_scoped3A : memref<!tpu.dma_semaphore, #tpu.memory_space<semaphore_mem>>) src(%dma_wait3A_25 : memref<10000xi32, #tpu.memory_space<hbm>>) dst(%arg7 : memref<10000xi32, #tpu.memory_space<vmem>>)
        tpu.yield
      }) : () -> ()
      %scan3A_10 = arith.constant 0 : i32
      %scan3A_11 = arith.constant 0 : i32
      %scan3A_12 = arith.constant 4 : i32
      %scan3A_13 = arith.addi %scan3A_11, %scan3A_12 : i32
      %scan3A_14 = arith.constant 1 : i32
      scf.for %scan3A_16 = %scan3A_11 to %scan3A_13 step %scan3A_14  : i32 {
        %mul3A_17 = arith.constant 4 : i32
        %mul3A_18 = arith.muli %add3A_9, %mul3A_17 : i32
        %add3A_19 = arith.addi %mul3A_18, %scan3A_16 : i32
        "tpu.region"() ({
          %run_scoped3A = tpu.sem_alloc : memref<!tpu.dma_semaphore, #tpu.memory_space<semaphore_mem>>
          %dma_start3A = arith.constant 0 : i32
          %dma_start3A_89 = arith.constant 0 : i32
          %dma_start3A_90 = tpu.memref_slice %arg2[%add3A_19, %dma_start3A, %dma_start3A_89] : memref<384x8x10000xf32, #tpu.memory_space<hbm>> -> memref<1x8x10000xf32, #tpu.memory_space<hbm>>
          %dma_start3A_91 = tpu.memref_squeeze %dma_start3A_90 : memref<1x8x10000xf32, #tpu.memory_space<hbm>> -> memref<8x10000xf32, #tpu.memory_space<hbm>>
          %dma_start3A_92 = arith.constant 0 : i32
          %dma_start3A_93 = arith.constant 0 : i32
          %dma_start3A_94 = tpu.memref_slice %arg2[%add3A_19, %dma_start3A_92, %dma_start3A_93] : memref<384x8x10000xf32, #tpu.memory_space<hbm>> -> memref<1x8x10000xf32, #tpu.memory_space<hbm>>
          %dma_start3A_95 = tpu.memref_squeeze %dma_start3A_94 : memref<1x8x10000xf32, #tpu.memory_space<hbm>> -> memref<8x10000xf32, #tpu.memory_space<hbm>>
          tpu.enqueue_dma source(%dma_start3A_95 : memref<8x10000xf32, #tpu.memory_space<hbm>>) target(%arg6 : memref<8x10000xf32, #tpu.memory_space<vmem>>) target_semaphore(%run_scoped3A : memref<!tpu.dma_semaphore, #tpu.memory_space<semaphore_mem>>)
          %dma_wait3A = arith.constant 0 : i32
          %dma_wait3A_96 = arith.constant 0 : i32
          %dma_wait3A_97 = tpu.memref_slice %arg2[%add3A_19, %dma_wait3A, %dma_wait3A_96] : memref<384x8x10000xf32, #tpu.memory_space<hbm>> -> memref<1x8x10000xf32, #tpu.memory_space<hbm>>
          %dma_wait3A_98 = tpu.memref_squeeze %dma_wait3A_97 : memref<1x8x10000xf32, #tpu.memory_space<hbm>> -> memref<8x10000xf32, #tpu.memory_space<hbm>>
          %dma_wait3A_99 = arith.constant 0 : i32
          %dma_wait3A_100 = arith.constant 0 : i32
          %dma_wait3A_101 = tpu.memref_slice %arg2[%add3A_19, %dma_wait3A_99, %dma_wait3A_100] : memref<384x8x10000xf32, #tpu.memory_space<hbm>> -> memref<1x8x10000xf32, #tpu.memory_space<hbm>>
          %dma_wait3A_102 = tpu.memref_squeeze %dma_wait3A_101 : memref<1x8x10000xf32, #tpu.memory_space<hbm>> -> memref<8x10000xf32, #tpu.memory_space<hbm>>
          tpu.wait_dma2 semaphore(%run_scoped3A : memref<!tpu.dma_semaphore, #tpu.memory_space<semaphore_mem>>) src(%dma_wait3A_102 : memref<8x10000xf32, #tpu.memory_space<hbm>>) dst(%arg6 : memref<8x10000xf32, #tpu.memory_space<vmem>>)
          tpu.yield
        }) : () -> ()
        %mul3A_20 = arith.constant 8 : i32
        %mul3A_21 = arith.muli %scan3A_16, %mul3A_20 : i32
        %add3A_22 = arith.constant 0 : i32
        %add3A_23 = arith.addi %mul3A_21, %add3A_22 : i32
        %mul3A_24 = arith.constant 16 : i32
        %mul3A_25 = arith.muli %add3A_23, %mul3A_24 : i32
        %get3A = arith.index_cast %mul3A_25 : i32 to index
        %get3A_26 = tpu.vector_load %arg8[%get3A] {strides = array<i32>} : memref<512xf32, #tpu.memory_space<vmem>>, vector<16xf32>,
        %mul3A_27 = arith.constant 8 : i32
        %mul3A_28 = arith.muli %scan3A_16, %mul3A_27 : i32
        %add3A_29 = arith.constant 1 : i32
        %add3A_30 = arith.addi %mul3A_28, %add3A_29 : i32
        %mul3A_31 = arith.constant 16 : i32
        %mul3A_32 = arith.muli %add3A_30, %mul3A_31 : i32
        %get3A_33 = arith.index_cast %mul3A_32 : i32 to index
        %get3A_34 = tpu.vector_load %arg8[%get3A_33] {strides = array<i32>} : memref<512xf32, #tpu.memory_space<vmem>>, vector<16xf32>,
        %mul3A_35 = arith.constant 8 : i32
        %mul3A_36 = arith.muli %scan3A_16, %mul3A_35 : i32
        %add3A_37 = arith.constant 2 : i32
        %add3A_38 = arith.addi %mul3A_36, %add3A_37 : i32
        %mul3A_39 = arith.constant 16 : i32
        %mul3A_40 = arith.muli %add3A_38, %mul3A_39 : i32
        %get3A_41 = arith.index_cast %mul3A_40 : i32 to index
        %get3A_42 = tpu.vector_load %arg8[%get3A_41] {strides = array<i32>} : memref<512xf32, #tpu.memory_space<vmem>>, vector<16xf32>,
        %mul3A_43 = arith.constant 8 : i32
        %mul3A_44 = arith.muli %scan3A_16, %mul3A_43 : i32
        %add3A_45 = arith.constant 3 : i32
        %add3A_46 = arith.addi %mul3A_44, %add3A_45 : i32
        %mul3A_47 = arith.constant 16 : i32
        %mul3A_48 = arith.muli %add3A_46, %mul3A_47 : i32
        %get3A_49 = arith.index_cast %mul3A_48 : i32 to index
        %get3A_50 = tpu.vector_load %arg8[%get3A_49] {strides = array<i32>} : memref<512xf32, #tpu.memory_space<vmem>>, vector<16xf32>,
        %mul3A_51 = arith.constant 8 : i32
        %mul3A_52 = arith.muli %scan3A_16, %mul3A_51 : i32
        %add3A_53 = arith.constant 4 : i32
        %add3A_54 = arith.addi %mul3A_52, %add3A_53 : i32
        %mul3A_55 = arith.constant 16 : i32
        %mul3A_56 = arith.muli %add3A_54, %mul3A_55 : i32
        %get3A_57 = arith.index_cast %mul3A_56 : i32 to index
        %get3A_58 = tpu.vector_load %arg8[%get3A_57] {strides = array<i32>} : memref<512xf32, #tpu.memory_space<vmem>>, vector<16xf32>,
        %mul3A_59 = arith.constant 8 : i32
        %mul3A_60 = arith.muli %scan3A_16, %mul3A_59 : i32
        %add3A_61 = arith.constant 5 : i32
        %add3A_62 = arith.addi %mul3A_60, %add3A_61 : i32
        %mul3A_63 = arith.constant 16 : i32
        %mul3A_64 = arith.muli %add3A_62, %mul3A_63 : i32
        %get3A_65 = arith.index_cast %mul3A_64 : i32 to index
        %get3A_66 = tpu.vector_load %arg8[%get3A_65] {strides = array<i32>} : memref<512xf32, #tpu.memory_space<vmem>>, vector<16xf32>,
        %mul3A_67 = arith.constant 8 : i32
        %mul3A_68 = arith.muli %scan3A_16, %mul3A_67 : i32
        %add3A_69 = arith.constant 6 : i32
        %add3A_70 = arith.addi %mul3A_68, %add3A_69 : i32
        %mul3A_71 = arith.constant 16 : i32
        %mul3A_72 = arith.muli %add3A_70, %mul3A_71 : i32
        %get3A_73 = arith.index_cast %mul3A_72 : i32 to index
        %get3A_74 = tpu.vector_load %arg8[%get3A_73] {strides = array<i32>} : memref<512xf32, #tpu.memory_space<vmem>>, vector<16xf32>,
        %mul3A_75 = arith.constant 8 : i32
        %mul3A_76 = arith.muli %scan3A_16, %mul3A_75 : i32
        %add3A_77 = arith.constant 7 : i32
        %add3A_78 = arith.addi %mul3A_76, %add3A_77 : i32
        %mul3A_79 = arith.constant 16 : i32
        %mul3A_80 = arith.muli %add3A_78, %mul3A_79 : i32
        %get3A_81 = arith.index_cast %mul3A_80 : i32 to index
        %get3A_82 = tpu.vector_load %arg8[%get3A_81] {strides = array<i32>} : memref<512xf32, #tpu.memory_space<vmem>>, vector<16xf32>,
        %scan3A_83 = arith.constant 0 : i32
        %scan3A_84 = arith.constant 0 : i32
        %scan3A_85 = arith.constant 625 : i32
        %scan3A_86 = arith.addi %scan3A_84, %scan3A_85 : i32
        %scan3A_87 = arith.constant 1 : i32
        scf.for %scan3A_89 = %scan3A_84 to %scan3A_86 step %scan3A_87  : i32 {
          %mul3A_90 = arith.constant 16 : i32
          %mul3A_91 = arith.muli %scan3A_89, %mul3A_90 : i32
          %get3A_92 = arith.index_cast %mul3A_91 : i32 to index
          %get3A_93 = tpu.vector_load %arg7[%get3A_92] {strides = array<i32>} : memref<10000xi32, #tpu.memory_space<vmem>>, vector<16xi32>,
          %ne3A = arith.constant 0 : i32
          %ne3A_94 = vector.broadcast %ne3A : i32 to vector<16xi32>
          %ne3A_95 = arith.cmpi ne, %get3A_93, %ne3A_94 : vector<16xi32>
          %get3A_96 = arith.constant 0 : i32
          %get3A_97 = arith.index_cast %get3A_96 : i32 to index
          %get3A_98 = arith.index_cast %mul3A_91 : i32 to index
          %get3A_99 = tpu.vector_load %arg6[%get3A_97, %get3A_98] {strides = array<i32>} : memref<8x10000xf32, #tpu.memory_space<vmem>>, vector<16xf32>,
          %select_n3A = arith.select %ne3A_95, %get3A_26, %get3A_99 : vector<16xi1>, vector<16xf32>
          %swap3A = arith.constant 0 : i32
          %swap3A_100 = arith.index_cast %swap3A : i32 to index
          %swap3A_101 = arith.index_cast %mul3A_91 : i32 to index
          %swap3A_102 = tpu.vector_load %arg6[%swap3A_100, %swap3A_101] {strides = array<i32>} : memref<8x10000xf32, #tpu.memory_space<vmem>>, vector<16xf32>,
          tpu.vector_store %arg6[%swap3A_100, %swap3A_101], %select_n3A {strides = array<i32>} : memref<8x10000xf32, #tpu.memory_space<vmem>>, vector<16xf32>,
          %get3A_103 = arith.constant 1 : i32
          %get3A_104 = arith.index_cast %get3A_103 : i32 to index
          %get3A_105 = arith.index_cast %mul3A_91 : i32 to index
          %get3A_106 = tpu.vector_load %arg6[%get3A_104, %get3A_105] {strides = array<i32>} : memref<8x10000xf32, #tpu.memory_space<vmem>>, vector<16xf32>,
          %select_n3A_107 = arith.select %ne3A_95, %get3A_34, %get3A_106 : vector<16xi1>, vector<16xf32>
          %swap3A_108 = arith.constant 1 : i32
          %swap3A_109 = arith.index_cast %swap3A_108 : i32 to index
          %swap3A_110 = arith.index_cast %mul3A_91 : i32 to index
          %swap3A_111 = tpu.vector_load %arg6[%swap3A_109, %swap3A_110] {strides = array<i32>} : memref<8x10000xf32, #tpu.memory_space<vmem>>, vector<16xf32>,
          tpu.vector_store %arg6[%swap3A_109, %swap3A_110], %select_n3A_107 {strides = array<i32>} : memref<8x10000xf32, #tpu.memory_space<vmem>>, vector<16xf32>,
          %get3A_112 = arith.constant 2 : i32
          %get3A_113 = arith.index_cast %get3A_112 : i32 to index
          %get3A_114 = arith.index_cast %mul3A_91 : i32 to index
          %get3A_115 = tpu.vector_load %arg6[%get3A_113, %get3A_114] {strides = array<i32>} : memref<8x10000xf32, #tpu.memory_space<vmem>>, vector<16xf32>,
          %select_n3A_116 = arith.select %ne3A_95, %get3A_42, %get3A_115 : vector<16xi1>, vector<16xf32>
          %swap3A_117 = arith.constant 2 : i32
          %swap3A_118 = arith.index_cast %swap3A_117 : i32 to index
          %swap3A_119 = arith.index_cast %mul3A_91 : i32 to index
          %swap3A_120 = tpu.vector_load %arg6[%swap3A_118, %swap3A_119] {strides = array<i32>} : memref<8x10000xf32, #tpu.memory_space<vmem>>, vector<16xf32>,
          tpu.vector_store %arg6[%swap3A_118, %swap3A_119], %select_n3A_116 {strides = array<i32>} : memref<8x10000xf32, #tpu.memory_space<vmem>>, vector<16xf32>,
          %get3A_121 = arith.constant 3 : i32
          %get3A_122 = arith.index_cast %get3A_121 : i32 to index
          %get3A_123 = arith.index_cast %mul3A_91 : i32 to index
          %get3A_124 = tpu.vector_load %arg6[%get3A_122, %get3A_123] {strides = array<i32>} : memref<8x10000xf32, #tpu.memory_space<vmem>>, vector<16xf32>,
          %select_n3A_125 = arith.select %ne3A_95, %get3A_50, %get3A_124 : vector<16xi1>, vector<16xf32>
          %swap3A_126 = arith.constant 3 : i32
          %swap3A_127 = arith.index_cast %swap3A_126 : i32 to index
          %swap3A_128 = arith.index_cast %mul3A_91 : i32 to index
          %swap3A_129 = tpu.vector_load %arg6[%swap3A_127, %swap3A_128] {strides = array<i32>} : memref<8x10000xf32, #tpu.memory_space<vmem>>, vector<16xf32>,
          tpu.vector_store %arg6[%swap3A_127, %swap3A_128], %select_n3A_125 {strides = array<i32>} : memref<8x10000xf32, #tpu.memory_space<vmem>>, vector<16xf32>,
          %get3A_130 = arith.constant 4 : i32
          %get3A_131 = arith.index_cast %get3A_130 : i32 to index
          %get3A_132 = arith.index_cast %mul3A_91 : i32 to index
          %get3A_133 = tpu.vector_load %arg6[%get3A_131, %get3A_132] {strides = array<i32>} : memref<8x10000xf32, #tpu.memory_space<vmem>>, vector<16xf32>,
          %select_n3A_134 = arith.select %ne3A_95, %get3A_58, %get3A_133 : vector<16xi1>, vector<16xf32>
          %swap3A_135 = arith.constant 4 : i32
          %swap3A_136 = arith.index_cast %swap3A_135 : i32 to index
          %swap3A_137 = arith.index_cast %mul3A_91 : i32 to index
          %swap3A_138 = tpu.vector_load %arg6[%swap3A_136, %swap3A_137] {strides = array<i32>} : memref<8x10000xf32, #tpu.memory_space<vmem>>, vector<16xf32>,
          tpu.vector_store %arg6[%swap3A_136, %swap3A_137], %select_n3A_134 {strides = array<i32>} : memref<8x10000xf32, #tpu.memory_space<vmem>>, vector<16xf32>,
          %get3A_139 = arith.constant 5 : i32
          %get3A_140 = arith.index_cast %get3A_139 : i32 to index
          %get3A_141 = arith.index_cast %mul3A_91 : i32 to index
          %get3A_142 = tpu.vector_load %arg6[%get3A_140, %get3A_141] {strides = array<i32>} : memref<8x10000xf32, #tpu.memory_space<vmem>>, vector<16xf32>,
          %select_n3A_143 = arith.select %ne3A_95, %get3A_66, %get3A_142 : vector<16xi1>, vector<16xf32>
          %swap3A_144 = arith.constant 5 : i32
          %swap3A_145 = arith.index_cast %swap3A_144 : i32 to index
          %swap3A_146 = arith.index_cast %mul3A_91 : i32 to index
          %swap3A_147 = tpu.vector_load %arg6[%swap3A_145, %swap3A_146] {strides = array<i32>} : memref<8x10000xf32, #tpu.memory_space<vmem>>, vector<16xf32>,
          tpu.vector_store %arg6[%swap3A_145, %swap3A_146], %select_n3A_143 {strides = array<i32>} : memref<8x10000xf32, #tpu.memory_space<vmem>>, vector<16xf32>,
          %get3A_148 = arith.constant 6 : i32
          %get3A_149 = arith.index_cast %get3A_148 : i32 to index
          %get3A_150 = arith.index_cast %mul3A_91 : i32 to index
          %get3A_151 = tpu.vector_load %arg6[%get3A_149, %get3A_150] {strides = array<i32>} : memref<8x10000xf32, #tpu.memory_space<vmem>>, vector<16xf32>,
          %select_n3A_152 = arith.select %ne3A_95, %get3A_74, %get3A_151 : vector<16xi1>, vector<16xf32>
          %swap3A_153 = arith.constant 6 : i32
          %swap3A_154 = arith.index_cast %swap3A_153 : i32 to index
          %swap3A_155 = arith.index_cast %mul3A_91 : i32 to index
          %swap3A_156 = tpu.vector_load %arg6[%swap3A_154, %swap3A_155] {strides = array<i32>} : memref<8x10000xf32, #tpu.memory_space<vmem>>, vector<16xf32>,
          tpu.vector_store %arg6[%swap3A_154, %swap3A_155], %select_n3A_152 {strides = array<i32>} : memref<8x10000xf32, #tpu.memory_space<vmem>>, vector<16xf32>,
          %get3A_157 = arith.constant 7 : i32
          %get3A_158 = arith.index_cast %get3A_157 : i32 to index
          %get3A_159 = arith.index_cast %mul3A_91 : i32 to index
          %get3A_160 = tpu.vector_load %arg6[%get3A_158, %get3A_159] {strides = array<i32>} : memref<8x10000xf32, #tpu.memory_space<vmem>>, vector<16xf32>,
          %select_n3A_161 = arith.select %ne3A_95, %get3A_82, %get3A_160 : vector<16xi1>, vector<16xf32>
          %swap3A_162 = arith.constant 7 : i32
          %swap3A_163 = arith.index_cast %swap3A_162 : i32 to index
          %swap3A_164 = arith.index_cast %mul3A_91 : i32 to index
          %swap3A_165 = tpu.vector_load %arg6[%swap3A_163, %swap3A_164] {strides = array<i32>} : memref<8x10000xf32, #tpu.memory_space<vmem>>, vector<16xf32>,
          tpu.vector_store %arg6[%swap3A_163, %swap3A_164], %select_n3A_161 {strides = array<i32>} : memref<8x10000xf32, #tpu.memory_space<vmem>>, vector<16xf32>,
        }
        %scan3A_88 = arith.constant 625 : i32
        "tpu.region"() ({
          %run_scoped3A = tpu.sem_alloc : memref<!tpu.dma_semaphore, #tpu.memory_space<semaphore_mem>>
          %dma_start3A = arith.constant 0 : i32
          %dma_start3A_89 = arith.constant 0 : i32
          %dma_start3A_90 = tpu.memref_slice %arg5[%add3A_19, %dma_start3A, %dma_start3A_89] : memref<384x8x10000xf32, #tpu.memory_space<hbm>> -> memref<1x8x10000xf32, #tpu.memory_space<hbm>>
          %dma_start3A_91 = tpu.memref_squeeze %dma_start3A_90 : memref<1x8x10000xf32, #tpu.memory_space<hbm>> -> memref<8x10000xf32, #tpu.memory_space<hbm>>
          %dma_start3A_92 = arith.constant 0 : i32
          %dma_start3A_93 = arith.constant 0 : i32
          %dma_start3A_94 = tpu.memref_slice %arg5[%add3A_19, %dma_start3A_92, %dma_start3A_93] : memref<384x8x10000xf32, #tpu.memory_space<hbm>> -> memref<1x8x10000xf32, #tpu.memory_space<hbm>>
          %dma_start3A_95 = tpu.memref_squeeze %dma_start3A_94 : memref<1x8x10000xf32, #tpu.memory_space<hbm>> -> memref<8x10000xf32, #tpu.memory_space<hbm>>
          tpu.enqueue_dma source(%arg6 : memref<8x10000xf32, #tpu.memory_space<vmem>>) target(%dma_start3A_95 : memref<8x10000xf32, #tpu.memory_space<hbm>>) target_semaphore(%run_scoped3A : memref<!tpu.dma_semaphore, #tpu.memory_space<semaphore_mem>>)
          %dma_wait3A = arith.constant 0 : i32
          %dma_wait3A_96 = arith.constant 0 : i32
          %dma_wait3A_97 = tpu.memref_slice %arg5[%add3A_19, %dma_wait3A, %dma_wait3A_96] : memref<384x8x10000xf32, #tpu.memory_space<hbm>> -> memref<1x8x10000xf32, #tpu.memory_space<hbm>>
          %dma_wait3A_98 = tpu.memref_squeeze %dma_wait3A_97 : memref<1x8x10000xf32, #tpu.memory_space<hbm>> -> memref<8x10000xf32, #tpu.memory_space<hbm>>
          %dma_wait3A_99 = arith.constant 0 : i32
          %dma_wait3A_100 = arith.constant 0 : i32
          %dma_wait3A_101 = tpu.memref_slice %arg5[%add3A_19, %dma_wait3A_99, %dma_wait3A_100] : memref<384x8x10000xf32, #tpu.memory_space<hbm>> -> memref<1x8x10000xf32, #tpu.memory_space<hbm>>
          %dma_wait3A_102 = tpu.memref_squeeze %dma_wait3A_101 : memref<1x8x10000xf32, #tpu.memory_space<hbm>> -> memref<8x10000xf32, #tpu.memory_space<hbm>>
          tpu.wait_dma2 semaphore(%run_scoped3A : memref<!tpu.dma_semaphore, #tpu.memory_space<semaphore_mem>>) src(%arg6 : memref<8x10000xf32, #tpu.memory_space<vmem>>) dst(%dma_wait3A_102 : memref<8x10000xf32, #tpu.memory_space<hbm>>)
          tpu.yield
        }) : () -> ()
      }
      %scan3A_15 = arith.constant 4 : i32
    }
    %scan3A_5 = arith.constant 3 : i32
    return
  }
}

module attributes {stable_mosaic.version = 14 : i64} {
  func.func @body(%arg0: i32, %arg1: memref<1x8x8x10000xf32, #tpu.memory_space<vmem>>, %arg2: memref<1x1x1x10000xi8, #tpu.memory_space<vmem>>, %arg3: memref<1x8x8x1xf32, #tpu.memory_space<vmem>>, %arg4: memref<1x8x8x10000xf32, #tpu.memory_space<vmem>>) attributes {dimension_semantics = [#tpu.dimension_semantics<arbitrary>], iteration_bounds = array<i64: 96>, scalar_prefetch = 0 : i64, scratch_operands = 0 : i64, tpu.core_type = #tpu.core_type<tc>, window_params = [{transform_indices = @transform_0, window_bounds = array<i64: 1, 8, 8, 10000>}, {transform_indices = @transform_1, window_bounds = array<i64: 1, 1, 1, 10000>}, {pipeline_mode = #tpu.pipeline_mode<synchronous>, transform_indices = @transform_2, window_bounds = array<i64: 1, 8, 8, 1>}, {transform_indices = @transform_3, window_bounds = array<i64: 1, 8, 8, 10000>}]} {
    %get3A = arith.constant 0 : index
    %get3A_0 = arith.constant 0 : index
    %get3A_1 = arith.constant 0 : index
    %get3A_2 = arith.constant 0 : index
    %get3A_3 = vector.load %arg2[%get3A, %get3A_0, %get3A_1, %get3A_2] : memref<1x1x1x10000xi8, #tpu.memory_space<vmem>>, vector<1x1x1x10000xi8>
    %ne3A = arith.constant 0 : i8
    %ne3A_4 = vector.broadcast %ne3A : i8 to vector<1x1x1x10000xi8>
    %ne3A_5 = arith.cmpi ne, %get3A_3, %ne3A_4 : vector<1x1x1x10000xi8>
    %get3A_6 = arith.constant 0 : index
    %get3A_7 = arith.constant 0 : index
    %get3A_8 = arith.constant 0 : index
    %get3A_9 = arith.constant 0 : index
    %get3A_10 = vector.load %arg3[%get3A_6, %get3A_7, %get3A_8, %get3A_9] : memref<1x8x8x1xf32, #tpu.memory_space<vmem>>, vector<1x8x8x1xf32>
    %get3A_11 = arith.constant 0 : index
    %get3A_12 = arith.constant 0 : index
    %get3A_13 = arith.constant 0 : index
    %get3A_14 = arith.constant 0 : index
    %get3A_15 = vector.load %arg1[%get3A_11, %get3A_12, %get3A_13, %get3A_14] : memref<1x8x8x10000xf32, #tpu.memory_space<vmem>>, vector<1x8x8x10000xf32>
    %broadcast_in_dim3A = vector.shape_cast %ne3A_5 : vector<1x1x1x10000xi1> to vector<1x1x1x10000xi1>
    %broadcast_in_dim3A_16 = vector.broadcast %broadcast_in_dim3A : vector<1x1x1x10000xi1> to vector<1x8x8x10000xi1>
    %broadcast_in_dim3A_17 = vector.shape_cast %get3A_10 : vector<1x8x8x1xf32> to vector<1x8x8x1xf32>
    %broadcast_in_dim3A_18 = vector.broadcast %broadcast_in_dim3A_17 : vector<1x8x8x1xf32> to vector<1x8x8x10000xf32>
    %select_n3A = arith.select %broadcast_in_dim3A_16, %broadcast_in_dim3A_18, %get3A_15 : vector<1x8x8x10000xi1>, vector<1x8x8x10000xf32>
    %swap3A = arith.constant 0 : index
    %swap3A_19 = arith.constant 0 : index
    %swap3A_20 = arith.constant 0 : index
    %swap3A_21 = arith.constant 0 : index
    %swap3A_22 = vector.load %arg4[%swap3A, %swap3A_19, %swap3A_20, %swap3A_21] : memref<1x8x8x10000xf32, #tpu.memory_space<vmem>>, vector<1x8x8x10000xf32>
    tpu.vector_store %arg4[%swap3A, %swap3A_19, %swap3A_20, %swap3A_21], %select_n3A {strides = array<i32>} : memref<1x8x8x10000xf32, #tpu.memory_space<vmem>>, vector<1x8x8x10000xf32>,
    return
  }
  func.func @transform_0(%arg0: i32) -> (i32, i32, i32, i32) {
    %c0_i32 = arith.constant 0 : i32
    %c0_i32_0 = arith.constant 0 : i32
    %c0_i32_1 = arith.constant 0 : i32
    %c0_i32_2 = arith.constant 0 : i32
    return %arg0, %c0_i32, %c0_i32_0, %c0_i32_1 : i32, i32, i32, i32
  }
  func.func @transform_1(%arg0: i32) -> (i32, i32, i32, i32) {
    %c0_i32 = arith.constant 0 : i32
    %c0_i32_0 = arith.constant 0 : i32
    %c0_i32_1 = arith.constant 0 : i32
    %c0_i32_2 = arith.constant 0 : i32
    return %arg0, %c0_i32, %c0_i32_0, %c0_i32_1 : i32, i32, i32, i32
  }
  func.func @transform_2(%arg0: i32) -> (i32, i32, i32, i32) {
    %c0_i32 = arith.constant 0 : i32
    %c0_i32_0 = arith.constant 0 : i32
    %c0_i32_1 = arith.constant 0 : i32
    %c0_i32_2 = arith.constant 0 : i32
    %c0_i32_3 = arith.constant 0 : i32
    return %c0_i32, %c0_i32_0, %c0_i32_1, %c0_i32_2 : i32, i32, i32, i32
  }
  func.func @transform_3(%arg0: i32) -> (i32, i32, i32, i32) {
    %c0_i32 = arith.constant 0 : i32
    %c0_i32_0 = arith.constant 0 : i32
    %c0_i32_1 = arith.constant 0 : i32
    %c0_i32_2 = arith.constant 0 : i32
    return %arg0, %c0_i32, %c0_i32_0, %c0_i32_1 : i32, i32, i32, i32
  }
}

</mosaic_0001>

<sc_bundles>
// kernel: kernel.4.cloned.1.call-start
scs
__scs_entry_jumppad:
0x0: {  	(pc) =	sbr.rel $0x88, $3  }
0x1: {  	(tag) =	ssettag $0x0;
	lr =	simm.s32 $0x1  }
0x2: {  	[smem:$0x3F9D] =	sst lr;
	_ =	strace $0xD0000000  }
0x3: {  	_ = 	snop  }
0x4: {  	_ = 	snop  }
0x5: {  	_ = 	snop  }
0x6: {  	_ = 	snop  }
0x7: {  	_ = 	snop  }
__scs_overlays_trampoline_lowered:
0x8: {  	[smem:$0x3FAC] =	sst s0  }
0x9: {  	[smem:$0x3FAD] =	sst s1  }
0xa: {  	[smem:$0x3FAE] =	sst s2  }
0xb: {  	[smem:$0x3FAF] =	sst s3  }
0xc: {  	[smem:$0x3FB0] =	sst s4  }
0xd: {  	[smem:$0x3FB1] =	sst s5  }
0xe: {  	[smem:$0x3FB2] =	sst s6  }
0xf: {  	[smem:$0x3FB3] =	sst s7  }
0x10: {  	[smem:$0x3FB4] =	sst s8  }
0x11: {  	[smem:$0x3FB5] =	sst s9;
	s0 =	simm.s32 @!p0 $0x0  }
0x12: {  	s1 =	sld [smem:$0x3F9B];
	s0 =	simm.s32 @p0 $0x1  }
0x13: {  	[smem:$0x3FB6] =	sst s0;
	s0 =	simm.s32 @!p1 $0x0  }
0x14: {  	s2 =	sld [smem:$0x3F9A];
	s0 =	simm.s32 @p1 $0x1  }
0x15: {  	[smem:$0x3FB7] =	sst s0;
	s0 =	simm.s32 @!p2 $0x0  }
0x16: {  	s3 =	sld [smem:$0x3FDB];
	s0 =	simm.s32 @p2 $0x1  }
0x17: {  	s4 =	simm.s32 $0x1BF5;
	[smem:$0x3FB9] =	sst s0  }
0x18: {  	s0 =	sld [smem:$0x3F9C];
	_ =	swait.ge [sflag:s4], $0x0  }
0x19: {  	s7 =	sld [smem:$0x3F9D]  }
0x1a: {  	s8 =	sadd.s32 $0xFFFFE003, lr  }
0x1b: {  	s9 =	sadd.s32 $0xFFFFFEF7, lr;
	s5 =	simm.s32 $0xFFFFFFFF;
	p2 =	slt.u32 s8, $0xFFFFF086  }
0x1c: {  	p1 =	slt.u32 s9, $0xF7A;
	s5 =	simm.s32 @!p2 $0x0  }
0x1d: {  	s5 =	simm.s32 @p1 $0x1;
	p0 =	seq.s32 s7, s2  }
0x1e: {  	s7 =	smul.u32 @!p0 $0xF7A, s2;
	p2 =	seq.s32 @!p0 s5, $0x0  }
0x1f: {  	s9 =	smul.u32 $0xF7A, s1;
	s8 =	simm.s32 @!p0 $0x1BF5;
	p2 =	por !p2, p0  }
0x20: {  	[sflag:s8] =	ssyncset.s32 @!p0 $0xFFFFF086;
	s6 =	sadd.s32 @!p0 s3, s7;
	s7 =	simm.s32 @!p0 $0x108  }
0x21: {  	s3 =	sadd.s32 s3, s9;
	s6 =	sadd.s32 @!p0 $0x88, s6;
	s7 =	simm.s32 @p2 $0x1082  }
0x22: {  	[simem:s7], [sflag:s8] =	dma.local @!p0 [hbm:s6], $0xF7A  }
0x23: {  	s9 =	sor.u32 $0xD0000000, s2;
	s6 =	simm.s32 $0x108;
	_ =	swait.ge @!p0 [sflag:s8], $0x0  }
0x24: {  	s3 =	sadd.s32 $0x88, s3;
	s6 =	simm.s32 @!p1 $0x1082;
	[sflag:s4] =	ssyncset.s32 $0xFFFFF086  }
0x25: {  	[simem:s6], [sflag:s4] =	dma.local [hbm:s3], $0xF7A  }
0x26: {  	[smem:$0x3F9D] =	sst s1;
	(tag) =	ssettag s2;
	_ =	strace s9  }
0x27: {  	s1 =	sld [smem:$0x3FAD]  }
0x28: {  	s2 =	sld [smem:$0x3FAE]  }
0x29: {  	s4 =	sld [smem:$0x3FB0]  }
0x2a: {  	p0 =	seq.s32 s5, $0x0;
	s5 =	sld [smem:$0x3FB1]  }
0x2b: {  	s6 =	sld [smem:$0x3FB2]  }
0x2c: {  	s7 =	sld [smem:$0x3FB3]  }
0x2d: {  	s3 =	simm.s32 $0x108;
	s8 =	sld [smem:$0x3FB4]  }
0x2e: {  	s3 =	simm.s32 @!p0 $0x1082;
	s9 =	sld [smem:$0x3FB5]  }
0x2f: {  	lr =	sadd.s32 s0, s3;
	s0 =	sld [smem:$0x3FAC]  }
0x30: {  	s3 =	sld [smem:$0x3FAF]  }
0x31: {  	[smem:$0x3FB8] =	sst s10  }
0x32: {  	s10 =	sld [smem:$0x3FB6];
	_ =	sdelay $0x3  }
0x33: {  	p0 =	seq.s32 s10, $0x1;
	s10 =	sld [smem:$0x3FB8];
	_ =	sdelay $0x3  }
0x34: {  	[smem:$0x3FB8] =	sst s10  }
0x35: {  	s10 =	sld [smem:$0x3FB7];
	_ =	sdelay $0x3  }
0x36: {  	p1 =	seq.s32 s10, $0x1;
	s10 =	sld [smem:$0x3FB8];
	_ =	sdelay $0x3  }
0x37: {  	[smem:$0x3FB8] =	sst s10  }
0x38: {  	s10 =	sld [smem:$0x3FB9]  }
0x39: {  	_ = 	snop;
	(pc) =	sbr.ind lr, $3  }
0x3a: {  	_ = 	snop  }
0x3b: {  	_ = 	snop  }
0x3c: {  	p2 =	seq.s32 s10, $0x1;
	s10 =	sld [smem:$0x3FB8]  }
0x3d: {  	_ =	shalt  }
0x3e: {  	_ =	shalt  }
0x3f: {  	_ =	shalt  }
0x40: {  	_ =	shalt  }
0x41: {  	_ =	shalt  }
0x42: {  	_ =	shalt  }
0x43: {  	_ =	shalt  }
0x44: {  	_ =	shalt  }
0x45: {  	_ =	shalt  }
0x46: {  	_ =	shalt  }
0x47: {  	_ =	shalt  }
0x48: {  	_ =	shalt  }
0x49: {  	_ =	shalt  }
0x4a: {  	_ =	shalt  }
0x4b: {  	_ =	shalt  }
0x4c: {  	_ =	shalt  }
0x4d: {  	_ =	shalt  }
0x4e: {  	_ =	shalt  }
0x4f: {  	_ =	shalt  }
0x50: {  	_ =	shalt  }
0x51: {  	_ =	shalt  }
0x52: {  	_ =	shalt  }
0x53: {  	_ =	shalt  }
0x54: {  	_ =	shalt  }
0x55: {  	_ =	shalt  }
0x56: {  	_ =	shalt  }
0x57: {  	_ =	shalt  }
0x58: {  	_ =	shalt  }
0x59: {  	_ =	shalt  }
0x5a: {  	_ =	shalt  }
0x5b: {  	_ =	shalt  }
0x5c: {  	_ =	shalt  }
0x5d: {  	_ =	shalt  }
0x5e: {  	_ =	shalt  }
0x5f: {  	_ =	shalt  }
0x60: {  	_ =	shalt  }
0x61: {  	_ =	shalt  }
0x62: {  	_ =	shalt  }
0x63: {  	_ =	shalt  }
0x64: {  	_ =	shalt  }
0x65: {  	_ =	shalt  }
0x66: {  	_ =	shalt  }
0x67: {  	_ =	shalt  }
0x68: {  	_ =	shalt  }
0x69: {  	_ =	shalt  }
0x6a: {  	_ =	shalt  }
0x6b: {  	_ =	shalt  }
0x6c: {  	_ =	shalt  }
0x6d: {  	_ =	shalt  }
0x6e: {  	_ =	shalt  }
0x6f: {  	_ =	shalt  }
0x70: {  	_ =	shalt  }
0x71: {  	_ =	shalt  }
0x72: {  	_ =	shalt  }
0x73: {  	_ =	shalt  }
0x74: {  	_ =	shalt  }
0x75: {  	_ =	shalt  }
0x76: {  	_ =	shalt  }
0x77: {  	_ =	shalt  }
0x78: {  	_ =	shalt  }
0x79: {  	_ =	shalt  }
0x7a: {  	_ =	shalt  }
0x7b: {  	_ =	shalt  }
0x7c: {  	_ =	shalt  }
0x7d: {  	_ =	shalt  }
0x7e: {  	_ =	shalt  }
0x7f: {  	_ =	shalt  }
0x80: {  	_ =	shalt  }
0x81: {  	_ =	shalt  }
0x82: {  	_ =	shalt  }
0x83: {  	_ =	shalt  }
0x84: {  	_ =	shalt  }
0x85: {  	_ =	shalt  }
0x86: {  	_ =	shalt  }
0x87: {  	_ =	shalt  }
.Lfunc_end0:
.L_simem_size_0:
called_computation_lowered:
.L_overlay_start_0:
0x88: {  	s2 =	sld [smem:$0x3FD9]  }
0x89: {  	s3 =	sld [smem:$0x3FFE];
	_ =	sdelay $0x1  }
0x8a: {  	s1 =	srdreg.scid  }
0x8b: {  	s0 =	sand.u32 $0x1, s1  }
0x8c: {  	s14 =	sshll.u32 s0, $0xA;
	s2 =	sadd.s32 s3, s2  }
0x8d: {  	s2 =	sadd.s32 s2, s14  }
0x8e: {  	[smem:$0x3FC4] =	sst s2  }
0x8f: {  	_ = 	snop  }
0x90: {  	s2 =	sld [smem:$0x3FD0];
	_ =	sdelay $0x2  }
0x91: {  	s4 =	simm.s32 $0xA;
	s5 =	simm.s32 $0x10;
	s15 =	sld [smem:$0x3FC8]  }
0x92: {  	[smem:s5], [sflag:s4] =	dma.local [hbm:s2], $0x1  }
0x93: {  	_ =	swait.eq [sflag:s4], $0x1  }
0x94: {  	[sflag:s4] =	ssyncset.done $0x0  }
0x95: {  	s16 =	sld [smem:$0x11];
	[sflag:s4] =	ssyncadd.s32 $0xFFFFFFFF  }
0x96: {  	s17 =	sld [smem:$0x13];
	(tm) =	ssettm $0x1  }
0x97: {  	s18 =	sld [smem:$0x3FFB];
	_ =	sdelay $0x3  }
0x98: {  	_ =	strace s18  }
0x99: {  	s5 =	sld [smem:$0x3FFC];
	_ =	sdelay $0x3  }
0x9a: {  	_ =	strace s5  }
0x9b: {  	s5 =	sld [smem:$0x3FFD];
	_ =	sdelay $0x3  }
0x9c: {  	_ =	strace s5  }
0x9d: {  	_ =	strace $0x8FFFFFFF  }
0x9e: {  	s19 =	sld [smem:$0x3FDB];
	_ =	sdelay $0x1  }
0x9f: {  	s6 =	simm.s32 $_scs_section_size  }
0xa0: {  	s7 =	simm.s32 $_size__tile_overlayer_lowered;
	s8 =	simm.s32 $_tile_overlayer_lowered  }
0xa1: {  	s22 =	simm.s32 $0x1BFF;
	s21 =	sshll.u32 s8, $0x1;
	s5 =	sadd.s32 s6, s19  }
0xa2: {  	s9 =	simm.s32 $0x0;
	s20 =	sshll.u32 s7, $0x1;
	s7 =	sadd.s32 s21, s5  }
0xa3: {  	[timem:s9], [sflag:s22] =	dma.local [hbm:s7], s20  }
0xa4: {  	_ =	swait.ge [sflag:s22], s20  }
0xa5: {  	s6 =	ssub.s32 $0x0, s20;
	[sflag:s22] =	ssyncset.done $0x0  }
0xa6: {  	[sflag:s22] =	ssyncadd.s32 s6;
	_ =	sdelay $0x1  }
0xa7: {  	s23 =	simm.s32 $0x1B8B  }
0xa8: {  	_ =	swait.ge [sflag:s23], $0x1  }
0xa9: {  	[sflag:s23] =	ssyncset.done $0x0  }
0xaa: {  	s25 =	simm.s32 $0x1B8E;
	s24 =	sld [smem:$0x3FFE];
	[sflag:s23] =	ssyncadd.s32 $0xFFFFFFFF  }
0xab: {  	s26 =	simm.s32 $execute0_lowered;
	[smem:$0x3FD2] =	sst s25  }
0xac: {  	s7 =	sshll.u32 s26, $0x1;
	_ =	strace $0x80000046;
	[dreg:$0x1] =	wrdreg $0xFFFFFFFF  }
0xad: {  	s28 =	simm.s32 $_size_execute0_lowered;
	s5 =	sadd.s32 s5, s7;
	[dreg:$0x0] =	wrdreg $0x0  }
0xae: {  	s7 =	sshll.u32 s28, $0x1;
	[dreg:$0x2] =	wrdreg s5  }
0xaf: {  	[dreg:$0x3] =	wrdreg s7  }
0xb0: {  	[dreg:$0x4] =	wrdreg $0xC0  }
0xb1: {  	_ =	task [dreg:s9], $0x5FFFF  }
0xb2: {  	[dreg:$0x1] =	wrdreg $0xFFFFFFFF  }
0xb3: {  	[dreg:$0x0] =	wrdreg $0x60  }
0xb4: {  	[dreg:$0x2] =	wrdreg s15  }
0xb5: {  	[dreg:$0x3] =	wrdreg s24  }
0xb6: {  	[dreg:$0x4] =	wrdreg s17  }
0xb7: {  	[dreg:$0x5] =	wrdreg s16  }
0xb8: {  	[dreg:$0x6] =	wrdreg $0x9  }
0xb9: {  	_ =	task.clear_ibuf [dreg:s9], $0x7FFFF;
	_ =	strace $0x90000046  }
0xba: {  	s29 =	simm.s32 $0x9;
	_ =	strace $0x80000048  }
0xbb: {  	_ =	swait.ge [sflag:s29], $0x1  }
0xbc: {  	[sflag:s29] =	ssyncadd.s32 $0xFFFFFFFF  }
0xbd: {  	_ =	strace $0x90000048  }
0xbe: {  	_ =	sfence  }
0xbf: {  	s30 =	sld [smem:$0x0];
	_ =	sdelay $0x2  }
0xc0: {  	s31 =	sshll.u32 s1, $0xD;
	s1 =	sshrl.u32 s1, $0x2  }
0xc1: {  	s3 =	sand.u32 $0x4000, s31;
	s1 =	sadd.s32 s1, s30  }
0xc2: {  	s0 =	sor.u32 s3, s0;
	s1 =	sshll.u32 s1, $0x11  }
0xc3: {  	s0 =	sor.u32 s1, s0  }
0xc4: {  	s0 =	sadd.s32 $0x8F2B, s0  }
0xc5: {  	[sflag:s0] =	ssyncadd.remote.s32 $0x1  }
0xc6: {  	_ =	sfence.sel $0xFFFF  }
0xc7: {  	[dreg:$0x0] =	wrdreg $0xFFFFFFFF;
	(pc) =	sbr.abs _section_cstart, $3  }
0xc8: {  	[dreg:$0x1] =	wrdreg $0xFFFFFFFF  }
0xc9: {  	_ =	task.clear_ibuf [dreg:s9], $0x2FFFF;
	_ =	strace $0x9FFFFFFF  }
0xca: {  	(tm) =	ssettm $0x7FFFFFFF  }
0xcb: {  	_ =	shalt  }
tec
execute0_lowered:
.L_overlay_start_1:
0x0: {  	(tag) =	ssettag $0x1  }
0x1: {  	s1 =	rddreg [dreg:$0x0]  }
0x2: {  	s6 =	rddreg [dreg:$0x1]  }
0x3: {  	s2 =	rddreg [dreg:$0x2]  }
0x4: {  	s3 =	rddreg [dreg:$0x3]  }
0x5: {  	s4 =	srdreg.scid;
	s0 =	rddreg [dreg:$0x4];
	s5 =	simm.s32 $0x0  }
0x6: {  	s11 =	simm.s32 $0x80;
	s12 =	simm.s32 $0x400;
	s13 =	simm.s32 $0x13C00  }
0x7: {  	s14 =	simm.s32 $0x0;
	s7 =	sand.u32 $0x1, s4;
	s4 =	stileid.u32  }
0x8: {  	[smem:$0x7FF] =	sst s5;
	s6 =	sadd.s32 $0x800, s6;
	s8 =	ssub.s32 $0x2, s7  }
0x9: {  	s10 =	sshll.u32 s4, $0x1;
	_ =	strace $0x80000047;
	s9 =	sshrl.u32 s8, $0x1  }
0xa: {  	s7 =	sor.u32 s7, s10;
	s10 =	simm.s32 $0x1;
	s8 =	ssub.s32 s8, s9  }
0xb: {  	s7 =	smul.u32 $0x3, s7;
	s9 =	simm.s32 $0x16380;
	s8 =	smax.u32 s8, $0x1  }
.LBB2_1:
0xc: {  	[tilespmem:s9], [sflag:$0x1] =	stream.linear.gather [hbm4b:s2+s5], $0x200, $0x38;
	[tilespmem:$0x16580] =	vst v63  }
0xd: {  	_ =	swait.ge [sflag:s10], $0x200  }
0xe: {  	[sflag:s10] =	ssyncset.done $0x0  }
0xf: {  	s15 =	simm.s32 $0x0;
	[sflag:s10] =	ssyncadd.s32 $0xFFFFFE00  }
.LBB2_2:
0x10: {  	s16 =	sadd.s32 s7, s15  }
0x11: {  	s17 =	sshrl.u32 s16, $0x3  }
0x12: {  	s18 =	sshll.u32 s16, $0x7;
	s17 =	smul.u32 $0x13C00, s17  }
0x13: {  	s18 =	sand.u32 $0x380, s18  }
0x14: {  	s17 =	sor.u32 s18, s17  }
0x15: {  	s17 =	sshrl.u32 s17, $0x3  }
0x16: {  	s17 =	sadd.s32 s6, s17  }
0x17: {  	[tilespmem:s13], [sflag:$0x1] =	stream.strided.gather [hbm4b:s17+s11], $0x2780, s12, s11, $0x38;
	[tilespmem:$0x16580] =	vst v63  }
0x18: {  	_ =	swait.ge [sflag:s10], $0x2780  }
0x19: {  	s16 =	sshll.u32 s16, $0x2;
	[sflag:s10] =	ssyncset.done $0x0  }
0x1a: {  	s18 =	simm.s32 $0x0;
	s17 =	simm.s32 $0x0;
	[sflag:s10] =	ssyncadd.s32 $0xFFFFD880  }
.LBB2_3:
0x1b: {  	s19 =	sadd.s32 s16, s18  }
0x1c: {  	s19 =	smul.u32 $0x2780, s19;
	_ =	sdelay $0x1  }
0x1d: {  	s20 =	sadd.s32 s1, s19  }
0x1e: {  	[tilespmem:s17], [sflag:$0x1] =	stream.linear.gather [hbm4b:s20+s17], $0x13C00, $0x38;
	[tilespmem:$0x16580] =	vst v63  }
0x1f: {  	_ =	swait.ge [sflag:s10], $0x13C00  }
0x20: {  	s30 =	sshll.u32 s18, $0x7;
	[sflag:s10] =	ssyncset.done $0x0  }
0x21: {  	s20 =	sand.u32 $0x3FFFFF80, s30;
	[sflag:s10] =	ssyncadd.s32 $0xFFFEC400  }
0x22: {  	v0 =	vld [tilespmem:s20+$0x16380]  }
0x23: {  	v1 =	vld [tilespmem:s20+$0x16390]  }
0x24: {  	v2 =	vld [tilespmem:s20+$0x163A0]  }
0x25: {  	v3 =	vld [tilespmem:s20+$0x163B0]  }
0x26: {  	v4 =	vld [tilespmem:s20+$0x163C0]  }
0x27: {  	v6 =	vld [tilespmem:s20+$0x163D0]  }
0x28: {  	v7 =	vld [tilespmem:s20+$0x163E0]  }
0x29: {  	s21 =	sand.u32 $0x70, s17;
	s22 =	sand.u32 $0x1FC00, s17;
	v5 =	vld [tilespmem:s20+$0x163F0];
	s20 =	simm.s32 $0x13C00  }
0x2a: {  	s22 =	sor.u32 s21, s22;
	v8 =	vld [tilespmem:s20+$0x0]  }
0x2b: {  	v9 =	vld [tilespmem:s22+$0x300]  }
0x2c: {  	v10 =	vld [tilespmem:s22+$0x200]  }
0x2d: {  	v11 =	vld [tilespmem:s22+$0x280]  }
0x2e: {  	v12 =	vld [tilespmem:s22+$0x180]  }
0x2f: {  	v13 =	vld [tilespmem:s22+$0x80];
	vm0 =	veq.s32 v8, $0x0  }
0x30: {  	v8 =	vld [tilespmem:s22+$0x100];
	v9 =	vsel vm0, v9, v7  }
0x31: {  	v14 =	vld [tilespmem:s22+$0x0];
	v10 =	vsel vm0, v10, v4;
	[tilespmem:s22+$0x300] =	vst v9  }
0x32: {  	v61 =	vsel vm0, v11, v6;
	[tilespmem:s22+$0x200] =	vst v10  }
0x33: {  	v62 =	vsel vm0, v12, v3;
	[tilespmem:s22+$0x280] =	vst v61  }
0x34: {  	s31 =	sand.u32 $0x7, s17;
	v63 =	vsel vm0, v13, v1;
	[tilespmem:s22+$0x180] =	vst v62  }
0x35: {  	s23 =	sshll.u32 s31, $0x4;
	[tilespmem:s22+$0x80] =	vst v63;
	v8 =	vsel vm0, v8, v2  }
0x36: {  	s21 =	simm.s32 $0x10;
	s23 =	sadd.s32 $0x0, s23;
	[tilespmem:s22+$0x100] =	vst v8;
	v8 =	vsel vm0, v14, v0  }
0x37: {  	s24 =	sor.u32 $0x380, s23;
	s23 =	simm.s32 $0x0;
	[tilespmem:s22+$0x0] =	vst v8;
	s22 =	simm.s32 $0x0  }
.LBB2_4:
0x38: {  	v8 =	vld [tilespmem:s24+$0x0];
	s22 =	sadd.s32 $0x80, s22;
	s23 =	sadd.s32 $0x1, s23;
	s20 =	sadd.s32 $0x10, s20  }
0x39: {  	p0 =	sne.s32 s21, $0x2700;
	s25 =	smov.u32 s21;
	s21 =	sadd.s32 $0x10, s21  }
0x3a: {  	_ =	sdelay $0x2  }
0x3b: {  	v8 =	vsel vm0, v8, v5  }
0x3c: {  	s25 =	sand.u32 $0x70, s25;
	s26 =	sand.u32 $0x1FC00, s22;
	[tilespmem:s24+$0x0] =	vst v8  }
0x3d: {  	s24 =	sor.u32 s25, s26;
	v8 =	vld [tilespmem:s20+$0x0]  }
0x3e: {  	v9 =	vld [tilespmem:s24+$0x300]  }
0x3f: {  	v10 =	vld [tilespmem:s24+$0x200]  }
0x40: {  	v11 =	vld [tilespmem:s24+$0x280]  }
0x41: {  	v12 =	vld [tilespmem:s24+$0x180]  }
0x42: {  	vm0 =	veq.s32 v8, $0x0;
	v8 =	vld [tilespmem:s24+$0x100]  }
0x43: {  	v13 =	vld [tilespmem:s24+$0x80];
	v9 =	vsel vm0, v9, v7  }
0x44: {  	v14 =	vld [tilespmem:s24+$0x0];
	v10 =	vsel vm0, v10, v4;
	[tilespmem:s24+$0x300] =	vst v9  }
0x45: {  	[tilespmem:s24+$0x200] =	vst v10;
	v9 =	vsel vm0, v11, v6  }
.Ltmp0:
0x46: {  	v10 =	vsel vm0, v12, v3;
	[tilespmem:s24+$0x280] =	vst v9;
	(pc) =	sbr.rel @p0 .LBB2_4-.Ltmp0, $4  }
0x47: {  	s25 =	sand.u32 $0x7, s23;
	v8 =	vsel vm0, v8, v2;
	[tilespmem:s24+$0x180] =	vst v10  }
0x48: {  	s25 =	sshll.u32 s25, $0x4;
	v9 =	vsel vm0, v13, v1;
	[tilespmem:s24+$0x100] =	vst v8  }
0x49: {  	s25 =	sadd.s32 s25, s22;
	v8 =	vsel vm0, v14, v0;
	[tilespmem:s24+$0x80] =	vst v9  }
0x4a: {  	[tilespmem:s24+$0x0] =	vst v8;
	s24 =	sor.u32 $0x380, s25  }
0x4b: {  	v0 =	vld [tilespmem:s24+$0x0];
	_ =	sdelay $0x3  }
0x4c: {  	s18 =	sadd.s32 $0x1, s18  }
0x4d: {  	p0 =	sne.s32 s18, $0x4;
	v0 =	vsel vm0, v0, v5  }
.Ltmp1:
0x4e: {  	s19 =	sadd.s32 s3, s19;
	[tilespmem:s24+$0x0] =	vst v0;
	(pc) =	sbr.rel @p0 .LBB2_3-.Ltmp1, $4  }
0x4f: {  	[hbm4b:s19+s5] =	stream.linear.scatter [tilespmem:s5], [sflag:$0x1], $0x13C00, $0x38;
	[tilespmem:$0x16580] =	vst v63  }
0x50: {  	_ =	swait.ge [sflag:s10], $0x13C00  }
0x51: {  	[sflag:s10] =	ssyncset.done $0x0  }
0x52: {  	[sflag:s10] =	ssyncadd.s32 $0xFFFEC400  }
0x53: {  	s15 =	sadd.s32 $0x1, s15  }
0x54: {  	p0 =	sne.s32 s15, $0x3  }
.Ltmp2:
0x55: {  	_ = 	snop;
	(pc) =	sbr.rel @p0 .LBB2_2-.Ltmp2, $1  }
0x56: {  	_ =	sdelay $0x3  }
0x57: {  	s14 =	sadd.s32 $0x1, s14  }
0x58: {  	p0 =	sne.s32 s14, s8  }
.Ltmp3:
0x59: {  	_ = 	snop;
	(pc) =	sbr.rel @p0 .LBB2_1-.Ltmp3, $1  }
0x5a: {  	_ =	sdelay $0x3  }
0x5b: {  	_ =	sfence.sel $0x180000  }
0x5c: {  	[bflag:$0x0] =	sbarrier.arrive $0xFFFF  }
0x5d: {  	p0 =	sne.s32 s4, $0x0;
	_ =	strace $0x90000047  }
0x5e: {  	s0 =	sadd.s32 @!p0 $0x100000, s0;
	[bflag:$0x2] =	sbarrier.arrive $0xFFFF  }
0x5f: {  	[sflag:s0] =	ssyncadd.tile.s32 @!p0 $0x1;
	_ =	shalt  }
.Lfunc_end2:
_tile_overlayer_lowered:
.L_overlay_start_2:
0x60: {  	(tag) =	ssettag $0x2  }
0x61: {  	s0 =	rddreg [dreg:$0x0];
	s2 =	stileid.u32  }
0x62: {  	s1 =	rddreg [dreg:$0x1];
	p0 =	sne.s32 s2, $0x0  }
0x63: {  	s3 =	rddreg [dreg:$0x2];
	[bflag:$0x3] =	sbarrier.arrive $0xFFFF;
	s2 =	simm.s32 @!p0 $0x1C01  }
0x64: {  	[timem:s3], [sflag:s2] =	dma.local @!p0 [hbm:s0], s1  }
0x65: {  	s0 =	simm.s32 @!p0 $0x1  }
0x66: {  	_ =	swait.ge @!p0 [sflag:s0], s1  }
0x67: {  	s1 =	ssub.s32 @!p0 $0x0, s1;
	[sflag:s0] =	ssyncset.done @!p0 $0x0  }
0x68: {  	[sflag:s0] =	ssyncadd.s32 @!p0 s1  }
0x69: {  	[bflag:$0x3] =	sbarrier.arrive $0xFFFF  }
0x6a: {  	_ =	shalt  }

</sc_bundles>
